<compile_context>
chip_gen: v7x
topology: tpu7x:2x2x1
jax: 0.10.2.dev20260603
libtpu: 0.0.44.dev20260713+nightly
codegen_flags: <defaults>
</compile_context>

<pallas_src>
import functools

import jax
import jax.numpy as jnp
from jax import lax
from jax.experimental import pallas as pl
from jax.experimental.pallas import tpu as pltpu
from jax.experimental.pallas import tpu_sc as plsc

_NUM_CORES = 2
_NUM_SUBCORES = 16
_NUM_WORKERS = _NUM_CORES * _NUM_SUBCORES


_HBM_SPLIT = 1536


def _remap_body(b_per_w, vocab, keys_hbm, table_hbm, out_hbm, idx_v, rows_v,
                tab_sh, sem_h, sem_s):
    s = lax.axis_index("s")
    wid = s * _NUM_CORES + lax.axis_index("c")
    base = wid * b_per_w
    n_s = b_per_w - _HBM_SPLIT
    pltpu.sync_copy(keys_hbm.at[pl.ds(base, b_per_w)], idx_v)
    hcopy = pltpu.async_copy(
        table_hbm.at[idx_v.at[pl.ds(0, _HBM_SPLIT)]],
        rows_v.at[pl.ds(0, _HBM_SPLIT)], sem_h)
    del vocab

    @pl.when(s == 0)
    def _stage_table():
        pltpu.sync_copy(table_hbm, tab_sh)

    plsc.subcore_barrier()
    scopy = pltpu.async_copy(
        tab_sh.at[idx_v.at[pl.ds(_HBM_SPLIT, n_s)]],
        rows_v.at[pl.ds(_HBM_SPLIT, n_s)], sem_s)
    hcopy.wait()
    scopy.wait()
    pltpu.sync_copy(rows_v, out_hbm.at[pl.ds(base, b_per_w)])


def kernel(offsets, keys, values, id2index):
    total = keys.shape[0]
    batch = offsets.shape[0]
    b_per_w = total // _NUM_WORKERS
    mesh = plsc.VectorSubcoreMesh(core_axis_name="c", subcore_axis_name="s")
    remap = pl.kernel(
        functools.partial(_remap_body, b_per_w, id2index.shape[0]),
        mesh=mesh,
        out_type=jax.ShapeDtypeStruct((total,), jnp.int32),
        scratch_types=[
            pltpu.VMEM((b_per_w,), jnp.int32),
            pltpu.VMEM((b_per_w,), jnp.int32),
            pltpu.VMEM_SHARED((id2index.shape[0],), jnp.int32),
            pltpu.SemaphoreType.DMA,
            pltpu.SemaphoreType.DMA,
        ],
    )
    idx_keys = remap(keys, id2index)

    def _tc_copy_body(vals_ref, offs_ref, vals_out, offs_out):
        vals_out[...] = vals_ref[...]
        offs_out[...] = offs_ref[...]

    vals2d = values.reshape(total // 128, 128)
    offs2d = offsets.reshape(batch // 128, 128)
    vals_out, offs_out = pl.pallas_call(
        _tc_copy_body,
        out_shape=(
            jax.ShapeDtypeStruct(vals2d.shape, values.dtype),
            jax.ShapeDtypeStruct(offs2d.shape, offsets.dtype),
        ),
    )(vals2d, offs2d)
    return (offs_out.reshape(batch), idx_keys, vals_out.reshape(total))

# --- scband reference (transcript-rebuilt; emitter-appended) ---
"""Pipeline reference for scband-sparse-preprocessor-70557722738955 (READ-ONLY COPY).

The authoritative reference and input builder live on the scoring server;
editing this copy changes nothing except your own understanding.
"""

import jax, jax.numpy as jnp
import numpy as np

BATCH = 4096
HIST = 50
TOTAL = BATCH * HIST
VOCAB = 100000

def setup_inputs(seed: int = 0) -> dict:
    key = jax.random.key(seed)
    k1, k2, k3 = jax.random.split(key, 3)
    # jagged offsets into the flat keys/values arrays (sorted, in-range)
    offsets = jnp.sort(jax.random.randint(k1, (BATCH,), 0, TOTAL, dtype=jnp.int64 if jax.config.read('jax_enable_x64') else jnp.int32)).astype(jnp.int32)
    # raw sparse ids, all within the id2mapping domain [0, VOCAB)
    keys = jax.random.randint(k2, (TOTAL,), 0, VOCAB).astype(jnp.int32)
    # per-id float scores (id_score_list feature)
    values = jax.random.uniform(k3, (TOTAL,), dtype=jnp.float32)
    # id2mapping materialized as a dense lookup table: raw_id -> embedding row index.
    # In the torch module this is a Dict[int, int]; here it is an int array so the
    # per-element dict lookup becomes a SparseCore-friendly gather.
    id2index = jnp.arange(VOCAB, dtype=jnp.int32)
    return {"offsets": offsets, "keys": keys, "values": values, "id2index": id2index}

def reference(offsets, keys, values, id2index):
    # preprocess_id_score_list for a single feature id:
    #   (1) map raw sparse ids -> embedding table indices via the id2mapping gather
    #   (2) pass offsets and float scores through unchanged
    idx_keys = jnp.take(id2index, keys, axis=0)
    return (offsets, idx_keys, values)

if __name__ == "__main__":
    import jax
    _d = setup_inputs()
    print(jax.jit(kernel)(*tuple(_d.values())))

</pallas_src>

<mosaic_0001>
#map = affine_map<(d0, d1) -> (0)>
module attributes {stable_mosaic.version = 14 : i64} {
  func.func @_remap_body(%arg0: i32, %arg1: i32, %arg2: memref<204800xi32, #tpu.memory_space<hbm>>, %arg3: memref<100000xi32, #tpu.memory_space<hbm>>, %arg4: memref<204800xi32, #tpu.memory_space<hbm>>, %arg5: memref<6400xi32, #tpu.memory_space<vmem>>, %arg6: memref<6400xi32, #tpu.memory_space<vmem>>, %arg7: memref<100000xi32, #tpu.memory_space<vmem_shared>>, %arg8: memref<!tpu.dma_semaphore, #tpu.memory_space<semaphore_mem>>, %arg9: memref<!tpu.dma_semaphore, #tpu.memory_space<semaphore_mem>>) attributes {dimension_semantics = [#tpu.dimension_semantics<core_parallel>, #tpu.dimension_semantics<subcore_parallel>], iteration_bounds = array<i64: 2, 16>, scalar_prefetch = 0 : i64, scratch_operands = 5 : i64, tpu.core_type = #tpu.core_type<sc_vector_subcore>, window_params = [{transform_indices = #map}, {transform_indices = #map}, {transform_indices = #map}]} {
    %mul3A = arith.constant 2 : i32
    %mul3A_0 = arith.muli %arg1, %mul3A : i32
    %add3A = arith.addi %mul3A_0, %arg0 : i32
    %mul3A_1 = arith.constant 6400 : i32
    %mul3A_2 = arith.muli %add3A, %mul3A_1 : i32
    "tpu.region"() ({
      %run_scoped3A = tpu.sem_alloc : memref<!tpu.dma_semaphore, #tpu.memory_space<semaphore_mem>>
      %dma_start3A_27 = tpu.memref_slice %arg2[%mul3A_2] : memref<204800xi32, #tpu.memory_space<hbm>> -> memref<6400xi32, #tpu.memory_space<hbm>>
      %dma_start3A_28 = tpu.memref_slice %arg2[%mul3A_2] : memref<204800xi32, #tpu.memory_space<hbm>> -> memref<6400xi32, #tpu.memory_space<hbm>>
      tpu.enqueue_dma source(%dma_start3A_28 : memref<6400xi32, #tpu.memory_space<hbm>>) target(%arg5 : memref<6400xi32, #tpu.memory_space<vmem>>) target_semaphore(%run_scoped3A : memref<!tpu.dma_semaphore, #tpu.memory_space<semaphore_mem>>)
      %dma_wait3A_29 = tpu.memref_slice %arg2[%mul3A_2] : memref<204800xi32, #tpu.memory_space<hbm>> -> memref<6400xi32, #tpu.memory_space<hbm>>
      %dma_wait3A_30 = tpu.memref_slice %arg2[%mul3A_2] : memref<204800xi32, #tpu.memory_space<hbm>> -> memref<6400xi32, #tpu.memory_space<hbm>>
      tpu.wait_dma2 semaphore(%run_scoped3A : memref<!tpu.dma_semaphore, #tpu.memory_space<semaphore_mem>>) src(%dma_wait3A_30 : memref<6400xi32, #tpu.memory_space<hbm>>) dst(%arg5 : memref<6400xi32, #tpu.memory_space<vmem>>)
      tpu.yield
    }) : () -> ()
    %dma_start3A = arith.constant 0 : i32
    %dma_start3A_3 = tpu.memref_slice %arg6[%dma_start3A] : memref<6400xi32, #tpu.memory_space<vmem>> -> memref<1536xi32, #tpu.memory_space<vmem>>
    %dma_start3A_4 = arith.constant 0 : i32
    %dma_start3A_5 = tpu.memref_slice %arg5[%dma_start3A_4] : memref<6400xi32, #tpu.memory_space<vmem>> -> memref<1536xi32, #tpu.memory_space<vmem>>
    %dma_start3A_6 = arith.constant 0 : i32
    %dma_start3A_7 = tpu.memref_slice %arg3[%dma_start3A_6] : memref<100000xi32, #tpu.memory_space<hbm>> -> memref<100000xi32, #tpu.memory_space<hbm>>
    tpu.enqueue_indirect_dma source(%dma_start3A_7 : memref<100000xi32, #tpu.memory_space<hbm>>) target(%dma_start3A_3 : memref<1536xi32, #tpu.memory_space<vmem>>) offsets(%dma_start3A_5 : memref<1536xi32, #tpu.memory_space<vmem>>) semaphore(%arg8 : memref<!tpu.dma_semaphore, #tpu.memory_space<semaphore_mem>>)
    %eq3A = arith.constant 0 : i32
    %eq3A_8 = arith.cmpi eq, %arg1, %eq3A : i32
    %convert_element_type3A = arith.extui %eq3A_8 : i1 to i32
    %cond3A = arith.constant 0 : i32
    %cond3A_9 = arith.cmpi ne, %convert_element_type3A, %cond3A : i32
    scf.if %cond3A_9 {
      "tpu.region"() ({
        %run_scoped3A = tpu.sem_alloc : memref<!tpu.dma_semaphore, #tpu.memory_space<semaphore_mem>>
        tpu.enqueue_dma source(%arg3 : memref<100000xi32, #tpu.memory_space<hbm>>) target(%arg7 : memref<100000xi32, #tpu.memory_space<vmem_shared>>) target_semaphore(%run_scoped3A : memref<!tpu.dma_semaphore, #tpu.memory_space<semaphore_mem>>)
        tpu.wait_dma2 semaphore(%run_scoped3A : memref<!tpu.dma_semaphore, #tpu.memory_space<semaphore_mem>>) src(%arg3 : memref<100000xi32, #tpu.memory_space<hbm>>) dst(%arg7 : memref<100000xi32, #tpu.memory_space<vmem_shared>>)
        tpu.yield
      }) : () -> ()
    } else {
    }
    %barrier3A = arith.constant 0 : index
    tpu.barrier barrier_id(%barrier3A)
    %dma_start3A_10 = arith.constant 1536 : i32
    %dma_start3A_11 = tpu.memref_slice %arg6[%dma_start3A_10] : memref<6400xi32, #tpu.memory_space<vmem>> -> memref<4864xi32, #tpu.memory_space<vmem>>
    %dma_start3A_12 = arith.constant 1536 : i32
    %dma_start3A_13 = tpu.memref_slice %arg5[%dma_start3A_12] : memref<6400xi32, #tpu.memory_space<vmem>> -> memref<4864xi32, #tpu.memory_space<vmem>>
    %dma_start3A_14 = arith.constant 0 : i32
    %dma_start3A_15 = tpu.memref_slice %arg7[%dma_start3A_14] : memref<100000xi32, #tpu.memory_space<vmem_shared>> -> memref<100000xi32, #tpu.memory_space<vmem_shared>>
    tpu.enqueue_indirect_dma source(%dma_start3A_15 : memref<100000xi32, #tpu.memory_space<vmem_shared>>) target(%dma_start3A_11 : memref<4864xi32, #tpu.memory_space<vmem>>) offsets(%dma_start3A_13 : memref<4864xi32, #tpu.memory_space<vmem>>) semaphore(%arg9 : memref<!tpu.dma_semaphore, #tpu.memory_space<semaphore_mem>>)
    %dma_wait3A = arith.constant 0 : i32
    %dma_wait3A_16 = tpu.memref_slice %arg6[%dma_wait3A] : memref<6400xi32, #tpu.memory_space<vmem>> -> memref<1536xi32, #tpu.memory_space<vmem>>
    %dma_wait3A_17 = arith.constant 0 : i32
    %dma_wait3A_18 = tpu.memref_slice %arg5[%dma_wait3A_17] : memref<6400xi32, #tpu.memory_space<vmem>> -> memref<1536xi32, #tpu.memory_space<vmem>>
    %dma_wait3A_19 = arith.constant 0 : i32
    %dma_wait3A_20 = tpu.memref_slice %arg3[%dma_wait3A_19] : memref<100000xi32, #tpu.memory_space<hbm>> -> memref<100000xi32, #tpu.memory_space<hbm>>
    tpu.wait_indirect_dma semaphore(%arg8 : memref<!tpu.dma_semaphore, #tpu.memory_space<semaphore_mem>>) src(%dma_wait3A_20 : memref<100000xi32, #tpu.memory_space<hbm>>) dst(%dma_wait3A_16 : memref<1536xi32, #tpu.memory_space<vmem>>)
    %dma_wait3A_21 = arith.constant 1536 : i32
    %dma_wait3A_22 = tpu.memref_slice %arg6[%dma_wait3A_21] : memref<6400xi32, #tpu.memory_space<vmem>> -> memref<4864xi32, #tpu.memory_space<vmem>>
    %dma_wait3A_23 = arith.constant 1536 : i32
    %dma_wait3A_24 = tpu.memref_slice %arg5[%dma_wait3A_23] : memref<6400xi32, #tpu.memory_space<vmem>> -> memref<4864xi32, #tpu.memory_space<vmem>>
    %dma_wait3A_25 = arith.constant 0 : i32
    %dma_wait3A_26 = tpu.memref_slice %arg7[%dma_wait3A_25] : memref<100000xi32, #tpu.memory_space<vmem_shared>> -> memref<100000xi32, #tpu.memory_space<vmem_shared>>
    tpu.wait_indirect_dma semaphore(%arg9 : memref<!tpu.dma_semaphore, #tpu.memory_space<semaphore_mem>>) src(%dma_wait3A_26 : memref<100000xi32, #tpu.memory_space<vmem_shared>>) dst(%dma_wait3A_22 : memref<4864xi32, #tpu.memory_space<vmem>>)
    "tpu.region"() ({
      %run_scoped3A = tpu.sem_alloc : memref<!tpu.dma_semaphore, #tpu.memory_space<semaphore_mem>>
      %dma_start3A_27 = tpu.memref_slice %arg4[%mul3A_2] : memref<204800xi32, #tpu.memory_space<hbm>> -> memref<6400xi32, #tpu.memory_space<hbm>>
      %dma_start3A_28 = tpu.memref_slice %arg4[%mul3A_2] : memref<204800xi32, #tpu.memory_space<hbm>> -> memref<6400xi32, #tpu.memory_space<hbm>>
      tpu.enqueue_dma source(%arg6 : memref<6400xi32, #tpu.memory_space<vmem>>) target(%dma_start3A_28 : memref<6400xi32, #tpu.memory_space<hbm>>) target_semaphore(%run_scoped3A : memref<!tpu.dma_semaphore, #tpu.memory_space<semaphore_mem>>)
      %dma_wait3A_29 = tpu.memref_slice %arg4[%mul3A_2] : memref<204800xi32, #tpu.memory_space<hbm>> -> memref<6400xi32, #tpu.memory_space<hbm>>
      %dma_wait3A_30 = tpu.memref_slice %arg4[%mul3A_2] : memref<204800xi32, #tpu.memory_space<hbm>> -> memref<6400xi32, #tpu.memory_space<hbm>>
      tpu.wait_dma2 semaphore(%run_scoped3A : memref<!tpu.dma_semaphore, #tpu.memory_space<semaphore_mem>>) src(%arg6 : memref<6400xi32, #tpu.memory_space<vmem>>) dst(%dma_wait3A_30 : memref<6400xi32, #tpu.memory_space<hbm>>)
      tpu.yield
    }) : () -> ()
    return
  }
}

module attributes {stable_mosaic.version = 14 : i64} {
  func.func @_tc_copy_body(%arg0: memref<1600x128xf32, #tpu.memory_space<vmem>>, %arg1: memref<32x128xi32, #tpu.memory_space<vmem>>, %arg2: memref<1600x128xf32, #tpu.memory_space<vmem>>, %arg3: memref<32x128xi32, #tpu.memory_space<vmem>>) attributes {dimension_semantics = [], scalar_prefetch = 0 : i64, scratch_operands = 0 : i64, tpu.core_type = #tpu.core_type<tc>} {
    %get3A = arith.constant 0 : index
    %get3A_0 = arith.constant 0 : index
    %get3A_1 = vector.load %arg0[%get3A, %get3A_0] : memref<1600x128xf32, #tpu.memory_space<vmem>>, vector<1600x128xf32>
    %swap3A = arith.constant 0 : index
    %swap3A_2 = arith.constant 0 : index
    %swap3A_3 = vector.load %arg2[%swap3A, %swap3A_2] : memref<1600x128xf32, #tpu.memory_space<vmem>>, vector<1600x128xf32>
    tpu.vector_store %arg2[%swap3A, %swap3A_2], %get3A_1 {strides = array<i32>} : memref<1600x128xf32, #tpu.memory_space<vmem>>, vector<1600x128xf32>,
    %get3A_4 = arith.constant 0 : index
    %get3A_5 = arith.constant 0 : index
    %get3A_6 = vector.load %arg1[%get3A_4, %get3A_5] : memref<32x128xi32, #tpu.memory_space<vmem>>, vector<32x128xi32>
    %swap3A_7 = arith.constant 0 : index
    %swap3A_8 = arith.constant 0 : index
    %swap3A_9 = vector.load %arg3[%swap3A_7, %swap3A_8] : memref<32x128xi32, #tpu.memory_space<vmem>>, vector<32x128xi32>
    tpu.vector_store %arg3[%swap3A_7, %swap3A_8], %get3A_6 {strides = array<i32>} : memref<32x128xi32, #tpu.memory_space<vmem>>, vector<32x128xi32>,
    return
  }
}

</mosaic_0001>

<sc_bundles>
// kernel: kernel.4.cloned.1.call-start
scs
__scs_entry_jumppad:
0x0: {  	(pc) =	sbr.rel $0x88, $3  }
0x1: {  	(tag) =	ssettag $0x0;
	lr =	simm.s32 $0x1  }
0x2: {  	[smem:$0x3F9D] =	sst lr;
	_ =	strace $0xD0000000  }
0x3: {  	_ = 	snop  }
0x4: {  	_ = 	snop  }
0x5: {  	_ = 	snop  }
0x6: {  	_ = 	snop  }
0x7: {  	_ = 	snop  }
__scs_overlays_trampoline_lowered:
0x8: {  	[smem:$0x3FAC] =	sst s0  }
0x9: {  	[smem:$0x3FAD] =	sst s1  }
0xa: {  	[smem:$0x3FAE] =	sst s2  }
0xb: {  	[smem:$0x3FAF] =	sst s3  }
0xc: {  	[smem:$0x3FB0] =	sst s4  }
0xd: {  	[smem:$0x3FB1] =	sst s5  }
0xe: {  	[smem:$0x3FB2] =	sst s6  }
0xf: {  	[smem:$0x3FB3] =	sst s7  }
0x10: {  	[smem:$0x3FB4] =	sst s8  }
0x11: {  	[smem:$0x3FB5] =	sst s9;
	s0 =	simm.s32 @!p0 $0x0  }
0x12: {  	s1 =	sld [smem:$0x3F9B];
	s0 =	simm.s32 @p0 $0x1  }
0x13: {  	[smem:$0x3FB6] =	sst s0;
	s0 =	simm.s32 @!p1 $0x0  }
0x14: {  	s2 =	sld [smem:$0x3F9A];
	s0 =	simm.s32 @p1 $0x1  }
0x15: {  	[smem:$0x3FB7] =	sst s0;
	s0 =	simm.s32 @!p2 $0x0  }
0x16: {  	s3 =	sld [smem:$0x3FDB];
	s0 =	simm.s32 @p2 $0x1  }
0x17: {  	s4 =	simm.s32 $0x1BF5;
	[smem:$0x3FB9] =	sst s0  }
0x18: {  	s0 =	sld [smem:$0x3F9C];
	_ =	swait.ge [sflag:s4], $0x0  }
0x19: {  	s7 =	sld [smem:$0x3F9D]  }
0x1a: {  	s8 =	sadd.s32 $0xFFFFE003, lr  }
0x1b: {  	s9 =	sadd.s32 $0xFFFFFEF7, lr;
	s5 =	simm.s32 $0xFFFFFFFF;
	p2 =	slt.u32 s8, $0xFFFFF086  }
0x1c: {  	p1 =	slt.u32 s9, $0xF7A;
	s5 =	simm.s32 @!p2 $0x0  }
0x1d: {  	s5 =	simm.s32 @p1 $0x1;
	p0 =	seq.s32 s7, s2  }
0x1e: {  	s7 =	smul.u32 @!p0 $0xF7A, s2;
	p2 =	seq.s32 @!p0 s5, $0x0  }
0x1f: {  	s9 =	smul.u32 $0xF7A, s1;
	s8 =	simm.s32 @!p0 $0x1BF5;
	p2 =	por !p2, p0  }
0x20: {  	[sflag:s8] =	ssyncset.s32 @!p0 $0xFFFFF086;
	s6 =	sadd.s32 @!p0 s3, s7;
	s7 =	simm.s32 @!p0 $0x108  }
0x21: {  	s3 =	sadd.s32 s3, s9;
	s6 =	sadd.s32 @!p0 $0x88, s6;
	s7 =	simm.s32 @p2 $0x1082  }
0x22: {  	[simem:s7], [sflag:s8] =	dma.local @!p0 [hbm:s6], $0xF7A  }
0x23: {  	s9 =	sor.u32 $0xD0000000, s2;
	s6 =	simm.s32 $0x108;
	_ =	swait.ge @!p0 [sflag:s8], $0x0  }
0x24: {  	s3 =	sadd.s32 $0x88, s3;
	s6 =	simm.s32 @!p1 $0x1082;
	[sflag:s4] =	ssyncset.s32 $0xFFFFF086  }
0x25: {  	[simem:s6], [sflag:s4] =	dma.local [hbm:s3], $0xF7A  }
0x26: {  	[smem:$0x3F9D] =	sst s1;
	(tag) =	ssettag s2;
	_ =	strace s9  }
0x27: {  	s1 =	sld [smem:$0x3FAD]  }
0x28: {  	s2 =	sld [smem:$0x3FAE]  }
0x29: {  	s4 =	sld [smem:$0x3FB0]  }
0x2a: {  	p0 =	seq.s32 s5, $0x0;
	s5 =	sld [smem:$0x3FB1]  }
0x2b: {  	s6 =	sld [smem:$0x3FB2]  }
0x2c: {  	s7 =	sld [smem:$0x3FB3]  }
0x2d: {  	s3 =	simm.s32 $0x108;
	s8 =	sld [smem:$0x3FB4]  }
0x2e: {  	s3 =	simm.s32 @!p0 $0x1082;
	s9 =	sld [smem:$0x3FB5]  }
0x2f: {  	lr =	sadd.s32 s0, s3;
	s0 =	sld [smem:$0x3FAC]  }
0x30: {  	s3 =	sld [smem:$0x3FAF]  }
0x31: {  	[smem:$0x3FB8] =	sst s10  }
0x32: {  	s10 =	sld [smem:$0x3FB6];
	_ =	sdelay $0x3  }
0x33: {  	p0 =	seq.s32 s10, $0x1;
	s10 =	sld [smem:$0x3FB8];
	_ =	sdelay $0x3  }
0x34: {  	[smem:$0x3FB8] =	sst s10  }
0x35: {  	s10 =	sld [smem:$0x3FB7];
	_ =	sdelay $0x3  }
0x36: {  	p1 =	seq.s32 s10, $0x1;
	s10 =	sld [smem:$0x3FB8];
	_ =	sdelay $0x3  }
0x37: {  	[smem:$0x3FB8] =	sst s10  }
0x38: {  	s10 =	sld [smem:$0x3FB9]  }
0x39: {  	_ = 	snop;
	(pc) =	sbr.ind lr, $3  }
0x3a: {  	_ = 	snop  }
0x3b: {  	_ = 	snop  }
0x3c: {  	p2 =	seq.s32 s10, $0x1;
	s10 =	sld [smem:$0x3FB8]  }
0x3d: {  	_ =	shalt  }
0x3e: {  	_ =	shalt  }
0x3f: {  	_ =	shalt  }
0x40: {  	_ =	shalt  }
0x41: {  	_ =	shalt  }
0x42: {  	_ =	shalt  }
0x43: {  	_ =	shalt  }
0x44: {  	_ =	shalt  }
0x45: {  	_ =	shalt  }
0x46: {  	_ =	shalt  }
0x47: {  	_ =	shalt  }
0x48: {  	_ =	shalt  }
0x49: {  	_ =	shalt  }
0x4a: {  	_ =	shalt  }
0x4b: {  	_ =	shalt  }
0x4c: {  	_ =	shalt  }
0x4d: {  	_ =	shalt  }
0x4e: {  	_ =	shalt  }
0x4f: {  	_ =	shalt  }
0x50: {  	_ =	shalt  }
0x51: {  	_ =	shalt  }
0x52: {  	_ =	shalt  }
0x53: {  	_ =	shalt  }
0x54: {  	_ =	shalt  }
0x55: {  	_ =	shalt  }
0x56: {  	_ =	shalt  }
0x57: {  	_ =	shalt  }
0x58: {  	_ =	shalt  }
0x59: {  	_ =	shalt  }
0x5a: {  	_ =	shalt  }
0x5b: {  	_ =	shalt  }
0x5c: {  	_ =	shalt  }
0x5d: {  	_ =	shalt  }
0x5e: {  	_ =	shalt  }
0x5f: {  	_ =	shalt  }
0x60: {  	_ =	shalt  }
0x61: {  	_ =	shalt  }
0x62: {  	_ =	shalt  }
0x63: {  	_ =	shalt  }
0x64: {  	_ =	shalt  }
0x65: {  	_ =	shalt  }
0x66: {  	_ =	shalt  }
0x67: {  	_ =	shalt  }
0x68: {  	_ =	shalt  }
0x69: {  	_ =	shalt  }
0x6a: {  	_ =	shalt  }
0x6b: {  	_ =	shalt  }
0x6c: {  	_ =	shalt  }
0x6d: {  	_ =	shalt  }
0x6e: {  	_ =	shalt  }
0x6f: {  	_ =	shalt  }
0x70: {  	_ =	shalt  }
0x71: {  	_ =	shalt  }
0x72: {  	_ =	shalt  }
0x73: {  	_ =	shalt  }
0x74: {  	_ =	shalt  }
0x75: {  	_ =	shalt  }
0x76: {  	_ =	shalt  }
0x77: {  	_ =	shalt  }
0x78: {  	_ =	shalt  }
0x79: {  	_ =	shalt  }
0x7a: {  	_ =	shalt  }
0x7b: {  	_ =	shalt  }
0x7c: {  	_ =	shalt  }
0x7d: {  	_ =	shalt  }
0x7e: {  	_ =	shalt  }
0x7f: {  	_ =	shalt  }
0x80: {  	_ =	shalt  }
0x81: {  	_ =	shalt  }
0x82: {  	_ =	shalt  }
0x83: {  	_ =	shalt  }
0x84: {  	_ =	shalt  }
0x85: {  	_ =	shalt  }
0x86: {  	_ =	shalt  }
0x87: {  	_ =	shalt  }
.Lfunc_end0:
.L_simem_size_0:
called_computation_lowered:
.L_overlay_start_0:
0x88: {  	s2 =	sld [smem:$0x3FD9]  }
0x89: {  	s3 =	sld [smem:$0x3FFE];
	_ =	sdelay $0x1  }
0x8a: {  	s1 =	srdreg.scid  }
0x8b: {  	s0 =	sand.u32 $0x1, s1  }
0x8c: {  	s15 =	sshll.u32 s0, $0xA;
	s2 =	sadd.s32 s3, s2  }
0x8d: {  	s2 =	sadd.s32 s2, s15  }
0x8e: {  	[smem:$0x3FC4] =	sst s2  }
0x8f: {  	_ = 	snop  }
0x90: {  	s2 =	sld [smem:$0x3FD0];
	_ =	sdelay $0x1  }
0x91: {  	s16 =	sld [smem:$0x3FC8]  }
0x92: {  	s5 =	simm.s32 $0xA;
	s6 =	simm.s32 $0x10;
	s4 =	sld [smem:$0x3FC6]  }
0x93: {  	[smem:s6], [sflag:s5] =	dma.local [hbm:s2], $0x1  }
0x94: {  	_ =	swait.eq [sflag:s5], $0x1  }
0x95: {  	[sflag:s5] =	ssyncset.done $0x0  }
0x96: {  	[sflag:s5] =	ssyncadd.s32 $0xFFFFFFFF  }
0x97: {  	s17 =	sld [smem:$0x11];
	(tm) =	ssettm $0x1  }
0x98: {  	s18 =	sld [smem:$0x3FFB];
	_ =	sdelay $0x3  }
0x99: {  	_ =	strace s18  }
0x9a: {  	s5 =	sld [smem:$0x3FFC];
	_ =	sdelay $0x3  }
0x9b: {  	_ =	strace s5  }
0x9c: {  	s5 =	sld [smem:$0x3FFD];
	_ =	sdelay $0x3  }
0x9d: {  	_ =	strace s5  }
0x9e: {  	_ =	strace $0x8FFFFFFF  }
0x9f: {  	s19 =	sld [smem:$0x3FDB];
	_ =	sdelay $0x1  }
0xa0: {  	s20 =	simm.s32 $_scs_section_size  }
0xa1: {  	s7 =	simm.s32 $_size__tile_overlayer_lowered;
	s8 =	simm.s32 $_tile_overlayer_lowered  }
0xa2: {  	s23 =	simm.s32 $0x1BFF;
	s22 =	sshll.u32 s8, $0x1;
	s5 =	sadd.s32 s20, s19  }
0xa3: {  	s9 =	simm.s32 $0x0;
	s21 =	sshll.u32 s7, $0x1;
	s7 =	sadd.s32 s22, s5  }
0xa4: {  	[timem:s9], [sflag:s23] =	dma.local [hbm:s7], s21  }
0xa5: {  	_ =	swait.ge [sflag:s23], s21  }
0xa6: {  	s6 =	ssub.s32 $0x0, s21;
	[sflag:s23] =	ssyncset.done $0x0  }
0xa7: {  	[sflag:s23] =	ssyncadd.s32 s6;
	_ =	sdelay $0x1  }
0xa8: {  	s24 =	simm.s32 $0x1B8B  }
0xa9: {  	_ =	swait.ge [sflag:s24], $0x1  }
0xaa: {  	[sflag:s24] =	ssyncset.done $0x0  }
0xab: {  	s25 =	simm.s32 $0x1B8E;
	[sflag:s24] =	ssyncadd.s32 $0xFFFFFFFF  }
0xac: {  	s26 =	simm.s32 $execute0_lowered;
	[smem:$0x3FD2] =	sst s25  }
0xad: {  	s6 =	sshll.u32 s26, $0x1;
	_ =	strace $0x80000046;
	[dreg:$0x1] =	wrdreg $0xFFFFFFFF  }
0xae: {  	s28 =	simm.s32 $_size_execute0_lowered;
	s5 =	sadd.s32 s5, s6;
	[dreg:$0x0] =	wrdreg $0x0  }
0xaf: {  	s6 =	sshll.u32 s28, $0x1;
	[dreg:$0x2] =	wrdreg s5  }
0xb0: {  	[dreg:$0x3] =	wrdreg s6  }
0xb1: {  	[dreg:$0x4] =	wrdreg $0xC0  }
0xb2: {  	_ =	task [dreg:s9], $0x5FFFF  }
0xb3: {  	[dreg:$0x1] =	wrdreg $0xFFFFFFFF  }
0xb4: {  	[dreg:$0x0] =	wrdreg $0x60  }
0xb5: {  	[dreg:$0x2] =	wrdreg s16  }
0xb6: {  	[dreg:$0x3] =	wrdreg s4  }
0xb7: {  	[dreg:$0x4] =	wrdreg s17  }
0xb8: {  	[dreg:$0x5] =	wrdreg $0x32000  }
0xb9: {  	[dreg:$0x6] =	wrdreg $0x9  }
0xba: {  	_ =	task.clear_ibuf [dreg:s9], $0x7FFFF;
	_ =	strace $0x90000046  }
0xbb: {  	s29 =	simm.s32 $0x9;
	_ =	strace $0x80000048  }
0xbc: {  	_ =	swait.ge [sflag:s29], $0x1  }
0xbd: {  	[sflag:s29] =	ssyncadd.s32 $0xFFFFFFFF  }
0xbe: {  	_ =	strace $0x90000048  }
0xbf: {  	_ =	sfence  }
0xc0: {  	s30 =	sld [smem:$0x0];
	_ =	sdelay $0x2  }
0xc1: {  	s31 =	sshll.u32 s1, $0xD;
	s1 =	sshrl.u32 s1, $0x2  }
0xc2: {  	s3 =	sand.u32 $0x4000, s31;
	s1 =	sadd.s32 s1, s30  }
0xc3: {  	s0 =	sor.u32 s3, s0;
	s1 =	sshll.u32 s1, $0x11  }
0xc4: {  	s0 =	sor.u32 s1, s0  }
0xc5: {  	s0 =	sadd.s32 $0x8F2B, s0  }
0xc6: {  	[sflag:s0] =	ssyncadd.remote.s32 $0x1  }
0xc7: {  	_ =	sfence.sel $0xFFFF  }
0xc8: {  	[dreg:$0x0] =	wrdreg $0xFFFFFFFF;
	(pc) =	sbr.abs _section_cstart, $3  }
0xc9: {  	[dreg:$0x1] =	wrdreg $0xFFFFFFFF  }
0xca: {  	_ =	task.clear_ibuf [dreg:s9], $0x2FFFF;
	_ =	strace $0x9FFFFFFF  }
0xcb: {  	(tm) =	ssettm $0x7FFFFFFF  }
tec
execute0_lowered:
.L_overlay_start_1:
0x0: {  	(tag) =	ssettag $0x1  }
0x1: {  	s4 =	rddreg [dreg:$0x0]  }
0x2: {  	s0 =	rddreg [dreg:$0x1]  }
0x3: {  	s1 =	srdreg.scid;
	s6 =	stileid.u32  }
0x4: {  	s15 =	rddreg [dreg:$0x2];
	s14 =	sand.u32 $0x1, s1;
	s31 =	sshll.u32 s6, $0x1  }
0x5: {  	s2 =	rddreg [dreg:$0x3];
	s5 =	sor.u32 s14, s31  }
0x6: {  	s3 =	simm.s32 $0x0;
	s1 =	rddreg [dreg:$0x4];
	s16 =	smul.u32 $0x320, s5  }
0x7: {  	[smem:$0x7FF] =	sst s3  }
0x8: {  	_ =	strace $0x80000047;
	s5 =	sadd.s32 s4, s16;
	s4 =	simm.s32 $0x3  }
0x9: {  	[tilespmem:s3], [sflag:$0x3] =	stream.linear.gather [hbm4b:s5+s3], $0x1900, $0x38;
	[tilespmem:$0x4A70] =	vst v63  }
0xa: {  	s7 =	simm.s32 $0x1900;
	p0 =	sne.s32 s6, $0x0;
	_ =	swait.ge [sflag:s4], $0x1900  }
0xb: {  	s6 =	simm.s32 $0x600;
	s8 =	sshrl.u32 @!p0 s2, $0x3;
	[sflag:s4] =	ssyncset.done $0x0  }
0xc: {  	s9 =	simm.s32 @!p0 $0x1C03;
	s10 =	simm.s32 @!p0 $0x3;
	[sflag:s4] =	ssyncadd.s32 $0xFFFFE700  }
0xd: {  	[tilespmem:s7], [sflag:$0x1] =	stream.indirect.gather [hbm4b:s0+s6], $0x1, s3, s6, $0xb8;
	[tilespmem:$0x4A70] =	vst v63  }
0xe: {  	[spmem:s8], [sflag:s9] =	dma.local @!p0 [hbm:s0], $0x30E0  }
0xf: {  	_ =	swait.ge @!p0 [sflag:s10], $0x30E0  }
0x10: {  	s11 =	simm.s32 $0x1300;
	[sflag:s10] =	ssyncset.done @!p0 $0x0  }
0x11: {  	s12 =	simm.s32 $0x1F00;
	s17 =	ssub.s32 $0x2, s14;
	[sflag:s10] =	ssyncadd.s32 @!p0 $0xFFFFCF20  }
0x12: {  	s13 =	simm.s32 $0x1;
	s18 =	sshrl.u32 s17, $0x1;
	[bflag:$0x0] =	sbarrier.arrive $0xFFFF  }
0x13: {  	[tilespmem:s12], [sflag:$0x2] =	stream.indirect.gather [spmem:s2], $0x1, s6, s11, $0xb8;
	[tilespmem:$0x4A70] =	vst v63  }
0x14: {  	s17 =	ssub.s32 s17, s18;
	_ =	swait.ge [sflag:s13], $0x600  }
0x15: {  	s14 =	simm.s32 $0x2;
	s17 =	smax.u32 s17, $0x1;
	[sflag:s13] =	ssyncset.done $0x0  }
0x16: {  	s15 =	sadd.s32 s15, s16;
	s16 =	sadd.s32 $0xFFFFFFFF, s17;
	[sflag:s13] =	ssyncadd.s32 $0xFFFFFA00  }
0x17: {  	p1 =	sne.s32 s16, $0x0;
	_ =	swait.ge [sflag:s14], $0x1300  }
.Ltmp0:
0x18: {  	[sflag:s14] =	ssyncset.done $0x0;
	(pc) =	sbr.rel @!p1 .LBB2_2-.Ltmp0, $4  }
0x19: {  	[sflag:s14] =	ssyncadd.s32 $0xFFFFED00  }
0x1a: {  	[hbm4b:s15+s3] =	stream.linear.scatter [tilespmem:s7], [sflag:$0x3], $0x1900, $0x38;
	[tilespmem:$0x4A70] =	vst v63  }
0x1b: {  	_ =	swait.ge [sflag:s4], $0x1900  }
0x1c: {  	[sflag:s4] =	ssyncset.done $0x0  }
.LBB2_1:
0x1d: {  	s16 =	sadd.s32 $0xFFFFFFFF, s16;
	[sflag:s4] =	ssyncadd.s32 $0xFFFFE700  }
0x1e: {  	[tilespmem:s3], [sflag:$0x3] =	stream.linear.gather [hbm4b:s5+s3], $0x1900, $0x38;
	[tilespmem:$0x4A70] =	vst v63  }
0x1f: {  	p1 =	sne.s32 s16, $0x0;
	_ =	swait.ge [sflag:s4], $0x1900  }
0x20: {  	[sflag:s4] =	ssyncset.done $0x0  }
0x21: {  	[sflag:s4] =	ssyncadd.s32 $0xFFFFE700  }
0x22: {  	[tilespmem:s7], [sflag:$0x1] =	stream.indirect.gather [hbm4b:s0+s6], $0x1, s3, s6, $0xb8;
	[tilespmem:$0x4A70] =	vst v63  }
0x23: {  	[spmem:s8], [sflag:s9] =	dma.local @!p0 [hbm:s0], $0x30E0  }
0x24: {  	_ =	swait.ge @!p0 [sflag:s10], $0x30E0  }
0x25: {  	[sflag:s10] =	ssyncset.done @!p0 $0x0  }
0x26: {  	[sflag:s10] =	ssyncadd.s32 @!p0 $0xFFFFCF20  }
0x27: {  	[bflag:$0x0] =	sbarrier.arrive $0xFFFF  }
0x28: {  	[tilespmem:s12], [sflag:$0x2] =	stream.indirect.gather [spmem:s2], $0x1, s6, s11, $0xb8;
	[tilespmem:$0x4A70] =	vst v63  }
0x29: {  	_ =	swait.ge [sflag:s13], $0x600  }
0x2a: {  	[sflag:s13] =	ssyncset.done $0x0  }
0x2b: {  	[sflag:s13] =	ssyncadd.s32 $0xFFFFFA00  }
0x2c: {  	_ =	swait.ge [sflag:s14], $0x1300  }
.Ltmp1:
0x2d: {  	[sflag:s14] =	ssyncset.done $0x0;
	(pc) =	sbr.rel @p1 .LBB2_1-.Ltmp1, $4  }
0x2e: {  	[sflag:s14] =	ssyncadd.s32 $0xFFFFED00  }
0x2f: {  	[hbm4b:s15+s3] =	stream.linear.scatter [tilespmem:s7], [sflag:$0x3], $0x1900, $0x38;
	[tilespmem:$0x4A70] =	vst v63  }
0x30: {  	_ =	swait.ge [sflag:s4], $0x1900  }
0x31: {  	[sflag:s4] =	ssyncset.done $0x0  }
.LBB2_2:
0x32: {  	[sflag:s4] =	ssyncadd.s32 $0xFFFFE700  }
0x33: {  	_ =	sfence.sel $0x180000  }
0x34: {  	[bflag:$0x0] =	sbarrier.arrive $0xFFFF  }
0x35: {  	_ =	strace $0x90000047  }
0x36: {  	s0 =	sadd.s32 @!p0 $0x100000, s1;
	[bflag:$0x2] =	sbarrier.arrive $0xFFFF  }
0x37: {  	[sflag:s0] =	ssyncadd.tile.s32 @!p0 $0x1;
	_ =	shalt  }
.Lfunc_end2:
_tile_overlayer_lowered:
.L_overlay_start_2:
0x38: {  	(tag) =	ssettag $0x2  }
0x39: {  	s0 =	rddreg [dreg:$0x0];
	s2 =	stileid.u32  }
0x3a: {  	s1 =	rddreg [dreg:$0x1];
	p0 =	sne.s32 s2, $0x0  }
0x3b: {  	s3 =	rddreg [dreg:$0x2];
	[bflag:$0x3] =	sbarrier.arrive $0xFFFF;
	s2 =	simm.s32 @!p0 $0x1C03  }
0x3c: {  	[timem:s3], [sflag:s2] =	dma.local @!p0 [hbm:s0], s1  }
0x3d: {  	s0 =	simm.s32 @!p0 $0x3  }
0x3e: {  	_ =	swait.ge @!p0 [sflag:s0], s1  }
0x3f: {  	s1 =	ssub.s32 @!p0 $0x0, s1;
	[sflag:s0] =	ssyncset.done @!p0 $0x0  }
0x40: {  	[sflag:s0] =	ssyncadd.s32 @!p0 s1  }
0x41: {  	[bflag:$0x3] =	sbarrier.arrive $0xFFFF  }
0x42: {  	_ =	shalt  }

</sc_bundles>
